<compile_context>
chip_gen: v7x
topology: tpu7x:2x2x1
jax: 0.10.2.dev20260603
libtpu: 0.0.44.dev20260713+nightly
codegen_flags: <defaults>
</compile_context>

<pallas_src>
import functools

import jax
import jax.numpy as jnp
from jax import lax
from jax.experimental import pallas as pl
from jax.experimental.pallas import tpu as pltpu
from jax.experimental.pallas import tpu_sc as plsc

_P = 0.12
_NC = 2
_NS = 16
_NW = _NC * _NS
_CHUNK = 8
_NBUF = 4


def _gather_rows(b, s):
    probs = jnp.array([_P / 2, 1.0 - _P, _P / 2], dtype=jnp.float32)
    logits = jnp.log(probs)
    k = jax.random.fold_in(jax.random.key(42), 1)
    off = jax.random.categorical(k, logits, shape=(b, s)) - 1
    off = off.at[:, 0].set(jnp.clip(off[:, 0], 0, 1))
    off = off.at[:, -1].set(jnp.clip(off[:, -1], -1, 0))
    rows = off + jnp.arange(s, dtype=off.dtype)[None, :]
    rows = rows + (jnp.arange(b, dtype=off.dtype) * s)[:, None]
    return rows.reshape(-1).astype(jnp.int32)


@functools.partial(jax.jit, static_argnums=(2, 3))
def _sc_gather(xf, idx, r, c):
    rows_per_w = r // _NW
    nsteps = rows_per_w // _CHUNK
    ngroups = nsteps // _NBUF
    mesh = plsc.VectorSubcoreMesh(core_axis_name="c", subcore_axis_name="s")

    @functools.partial(
        pl.kernel,
        mesh=mesh,
        out_type=jax.ShapeDtypeStruct((r, c), jnp.float32),
        scratch_types=[
            pltpu.VMEM((nsteps, _CHUNK), jnp.int32),
            [pltpu.VMEM((_CHUNK, c), jnp.float32) for _ in range(_NBUF)],
            [pltpu.SemaphoreType.DMA for _ in range(_NBUF)],
            [pltpu.SemaphoreType.DMA for _ in range(_NBUF)],
        ],
    )
    def k(x_hbm, idx_hbm, out_hbm, idx_v, bufs, gsem, wsem):
        wid = lax.axis_index("s") * _NC + lax.axis_index("c")
        base = wid * rows_per_w
        pltpu.sync_copy(idx_hbm.at[wid], idx_v)

        def gather(j, b):
            return pltpu.make_async_copy(x_hbm.at[idx_v.at[j]], bufs[b], gsem[b])

        def write(j, b):
            return pltpu.make_async_copy(
                bufs[b], out_hbm.at[pl.ds(base + j * _CHUNK, _CHUNK)], wsem[b]
            )

        for b in range(_NBUF - 1):
            gather(b, b).start()

        def body(g, _):
            for b in range(_NBUF):
                j = g * _NBUF + b
                gather(j, b).wait()
                write(j, b).start()
                fb = (b + _NBUF - 1) % _NBUF
                if b == 0:
                    @pl.when(g == 0)
                    def _():
                        gather(_NBUF - 1, fb).start()

                    @pl.when(g > 0)
                    def _():
                        write(j - 1, fb).wait()
                        gather(j + _NBUF - 1, fb).start()
                else:
                    @pl.when(g < ngroups - 1)
                    def _():
                        write(j - 1, fb).wait()
                        gather(j + _NBUF - 1, fb).start()
            return 0

        lax.fori_loop(0, ngroups, body, 0)
        for b in range(_NBUF):
            write(nsteps - _NBUF + b, b).wait()

    return k(xf, idx)


def kernel(x):
    b, s, c = x.shape
    r = b * s
    rows = _gather_rows(b, s).reshape(_NW, r // _NW // _CHUNK, _CHUNK)
    out = _sc_gather(x.reshape(r, c), rows, r, c)
    return out.reshape(b, s, c)

# --- scband reference (transcript-rebuilt; emitter-appended) ---
"""Pipeline reference for scband-jitter-3023656976728 (READ-ONLY COPY).

The authoritative reference and input builder live on the scoring server;
editing this copy changes nothing except your own understanding.
"""

import jax, jax.numpy as jnp
import numpy as np

P = 0.12

def setup_inputs(seed: int = 0) -> dict:
    key = jax.random.key(seed)
    x = jax.random.normal(key, (4, 4096, 2048), dtype=jnp.float32)
    return {"x": x}

def reference(x):
    # Faithful translation of Jitter.forward in training mode.
    batch_size, sample_size, channels = x.shape
    # Categorical over [p/2, 1-p, p/2] -> offsets in {-1, 0, +1}
    probs = jnp.array([P / 2, 1.0 - P, P / 2], dtype=jnp.float32)
    logits = jnp.log(probs)
    k = jax.random.fold_in(jax.random.key(42), 1)
    index = jax.random.categorical(k, logits, shape=(batch_size, sample_size)) - 1
    # boundary clamps: first position cannot look back, last cannot look forward
    index = index.at[:, 0].set(jnp.clip(index[:, 0], 0, 1))
    index = index.at[:, -1].set(jnp.clip(index[:, -1], -1, 0))
    index = index + jnp.arange(sample_size, dtype=index.dtype)
    # torch.gather(x, 1, index.unsqueeze(-1).expand(-1,-1,C)) == take_along_axis with broadcast
    out = jnp.take_along_axis(x, index[:, :, None], axis=1)
    return out

if __name__ == "__main__":
    import jax
    _d = setup_inputs()
    print(jax.jit(kernel)(*tuple(_d.values())))

</pallas_src>

<mosaic_0001>
#map = affine_map<(d0, d1) -> (0, 0)>
#map1 = affine_map<(d0, d1) -> (0, 0, 0)>
module attributes {stable_mosaic.version = 14 : i64} {
  func.func @k(%arg0: i32, %arg1: i32, %arg2: memref<16384x2048xf32, #tpu.memory_space<hbm>>, %arg3: memref<32x64x8xi32, #tpu.memory_space<hbm>>, %arg4: memref<16384x2048xf32, #tpu.memory_space<hbm>>, %arg5: memref<64x8xi32, #tpu.memory_space<vmem>>, %arg6: memref<8x2048xf32, #tpu.memory_space<vmem>>, %arg7: memref<8x2048xf32, #tpu.memory_space<vmem>>, %arg8: memref<8x2048xf32, #tpu.memory_space<vmem>>, %arg9: memref<8x2048xf32, #tpu.memory_space<vmem>>, %arg10: memref<!tpu.dma_semaphore, #tpu.memory_space<semaphore_mem>>, %arg11: memref<!tpu.dma_semaphore, #tpu.memory_space<semaphore_mem>>, %arg12: memref<!tpu.dma_semaphore, #tpu.memory_space<semaphore_mem>>, %arg13: memref<!tpu.dma_semaphore, #tpu.memory_space<semaphore_mem>>, %arg14: memref<!tpu.dma_semaphore, #tpu.memory_space<semaphore_mem>>, %arg15: memref<!tpu.dma_semaphore, #tpu.memory_space<semaphore_mem>>, %arg16: memref<!tpu.dma_semaphore, #tpu.memory_space<semaphore_mem>>, %arg17: memref<!tpu.dma_semaphore, #tpu.memory_space<semaphore_mem>>) attributes {dimension_semantics = [#tpu.dimension_semantics<core_parallel>, #tpu.dimension_semantics<subcore_parallel>], iteration_bounds = array<i64: 2, 16>, scalar_prefetch = 0 : i64, scratch_operands = 13 : i64, tpu.core_type = #tpu.core_type<sc_vector_subcore>, window_params = [{transform_indices = #map}, {transform_indices = #map1}, {transform_indices = #map}]} {
    %mul3A = arith.constant 2 : i32
    %mul3A_0 = arith.muli %arg1, %mul3A : i32
    %add3A = arith.addi %mul3A_0, %arg0 : i32
    %mul3A_1 = arith.constant 512 : i32
    %mul3A_2 = arith.muli %add3A, %mul3A_1 : i32
    "tpu.region"() ({
      %run_scoped3A = tpu.sem_alloc : memref<!tpu.dma_semaphore, #tpu.memory_space<semaphore_mem>>
      %dma_start3A_52 = arith.constant 0 : i32
      %dma_start3A_53 = arith.constant 0 : i32
      %dma_start3A_54 = tpu.memref_slice %arg3[%add3A, %dma_start3A_52, %dma_start3A_53] : memref<32x64x8xi32, #tpu.memory_space<hbm>> -> memref<1x64x8xi32, #tpu.memory_space<hbm>>
      %dma_start3A_55 = tpu.memref_squeeze %dma_start3A_54 : memref<1x64x8xi32, #tpu.memory_space<hbm>> -> memref<64x8xi32, #tpu.memory_space<hbm>>
      %dma_start3A_56 = arith.constant 0 : i32
      %dma_start3A_57 = arith.constant 0 : i32
      %dma_start3A_58 = tpu.memref_slice %arg3[%add3A, %dma_start3A_56, %dma_start3A_57] : memref<32x64x8xi32, #tpu.memory_space<hbm>> -> memref<1x64x8xi32, #tpu.memory_space<hbm>>
      %dma_start3A_59 = tpu.memref_squeeze %dma_start3A_58 : memref<1x64x8xi32, #tpu.memory_space<hbm>> -> memref<64x8xi32, #tpu.memory_space<hbm>>
      tpu.enqueue_dma source(%dma_start3A_59 : memref<64x8xi32, #tpu.memory_space<hbm>>) target(%arg5 : memref<64x8xi32, #tpu.memory_space<vmem>>) target_semaphore(%run_scoped3A : memref<!tpu.dma_semaphore, #tpu.memory_space<semaphore_mem>>)
      %dma_wait3A_60 = arith.constant 0 : i32
      %dma_wait3A_61 = arith.constant 0 : i32
      %dma_wait3A_62 = tpu.memref_slice %arg3[%add3A, %dma_wait3A_60, %dma_wait3A_61] : memref<32x64x8xi32, #tpu.memory_space<hbm>> -> memref<1x64x8xi32, #tpu.memory_space<hbm>>
      %dma_wait3A_63 = tpu.memref_squeeze %dma_wait3A_62 : memref<1x64x8xi32, #tpu.memory_space<hbm>> -> memref<64x8xi32, #tpu.memory_space<hbm>>
      %dma_wait3A_64 = arith.constant 0 : i32
      %dma_wait3A_65 = arith.constant 0 : i32
      %dma_wait3A_66 = tpu.memref_slice %arg3[%add3A, %dma_wait3A_64, %dma_wait3A_65] : memref<32x64x8xi32, #tpu.memory_space<hbm>> -> memref<1x64x8xi32, #tpu.memory_space<hbm>>
      %dma_wait3A_67 = tpu.memref_squeeze %dma_wait3A_66 : memref<1x64x8xi32, #tpu.memory_space<hbm>> -> memref<64x8xi32, #tpu.memory_space<hbm>>
      tpu.wait_dma2 semaphore(%run_scoped3A : memref<!tpu.dma_semaphore, #tpu.memory_space<semaphore_mem>>) src(%dma_wait3A_67 : memref<64x8xi32, #tpu.memory_space<hbm>>) dst(%arg5 : memref<64x8xi32, #tpu.memory_space<vmem>>)
      tpu.yield
    }) : () -> ()
    %dma_start3A = arith.constant 0 : i32
    %dma_start3A_3 = arith.constant 0 : i32
    %dma_start3A_4 = tpu.memref_slice %arg5[%dma_start3A, %dma_start3A_3] : memref<64x8xi32, #tpu.memory_space<vmem>> -> memref<1x8xi32, #tpu.memory_space<vmem>>
    %dma_start3A_5 = tpu.memref_squeeze %dma_start3A_4 : memref<1x8xi32, #tpu.memory_space<vmem>> -> memref<8xi32, #tpu.memory_space<vmem>>
    %dma_start3A_6 = arith.constant 0 : i32
    %dma_start3A_7 = arith.constant 0 : i32
    %dma_start3A_8 = tpu.memref_slice %arg2[%dma_start3A_6, %dma_start3A_7] : memref<16384x2048xf32, #tpu.memory_space<hbm>> -> memref<16384x2048xf32, #tpu.memory_space<hbm>>
    tpu.enqueue_indirect_dma source(%dma_start3A_8 : memref<16384x2048xf32, #tpu.memory_space<hbm>>) target(%arg6 : memref<8x2048xf32, #tpu.memory_space<vmem>>) offsets(%dma_start3A_5 : memref<8xi32, #tpu.memory_space<vmem>>) semaphore(%arg10 : memref<!tpu.dma_semaphore, #tpu.memory_space<semaphore_mem>>)
    %dma_start3A_9 = arith.constant 1 : i32
    %dma_start3A_10 = arith.constant 0 : i32
    %dma_start3A_11 = tpu.memref_slice %arg5[%dma_start3A_9, %dma_start3A_10] : memref<64x8xi32, #tpu.memory_space<vmem>> -> memref<1x8xi32, #tpu.memory_space<vmem>>
    %dma_start3A_12 = tpu.memref_squeeze %dma_start3A_11 : memref<1x8xi32, #tpu.memory_space<vmem>> -> memref<8xi32, #tpu.memory_space<vmem>>
    %dma_start3A_13 = arith.constant 0 : i32
    %dma_start3A_14 = arith.constant 0 : i32
    %dma_start3A_15 = tpu.memref_slice %arg2[%dma_start3A_13, %dma_start3A_14] : memref<16384x2048xf32, #tpu.memory_space<hbm>> -> memref<16384x2048xf32, #tpu.memory_space<hbm>>
    tpu.enqueue_indirect_dma source(%dma_start3A_15 : memref<16384x2048xf32, #tpu.memory_space<hbm>>) target(%arg7 : memref<8x2048xf32, #tpu.memory_space<vmem>>) offsets(%dma_start3A_12 : memref<8xi32, #tpu.memory_space<vmem>>) semaphore(%arg11 : memref<!tpu.dma_semaphore, #tpu.memory_space<semaphore_mem>>)
    %dma_start3A_16 = arith.constant 2 : i32
    %dma_start3A_17 = arith.constant 0 : i32
    %dma_start3A_18 = tpu.memref_slice %arg5[%dma_start3A_16, %dma_start3A_17] : memref<64x8xi32, #tpu.memory_space<vmem>> -> memref<1x8xi32, #tpu.memory_space<vmem>>
    %dma_start3A_19 = tpu.memref_squeeze %dma_start3A_18 : memref<1x8xi32, #tpu.memory_space<vmem>> -> memref<8xi32, #tpu.memory_space<vmem>>
    %dma_start3A_20 = arith.constant 0 : i32
    %dma_start3A_21 = arith.constant 0 : i32
    %dma_start3A_22 = tpu.memref_slice %arg2[%dma_start3A_20, %dma_start3A_21] : memref<16384x2048xf32, #tpu.memory_space<hbm>> -> memref<16384x2048xf32, #tpu.memory_space<hbm>>
    tpu.enqueue_indirect_dma source(%dma_start3A_22 : memref<16384x2048xf32, #tpu.memory_space<hbm>>) target(%arg8 : memref<8x2048xf32, #tpu.memory_space<vmem>>) offsets(%dma_start3A_19 : memref<8xi32, #tpu.memory_space<vmem>>) semaphore(%arg12 : memref<!tpu.dma_semaphore, #tpu.memory_space<semaphore_mem>>)
    %scan3A = arith.constant 0 : i32
    %scan3A_23 = arith.constant 0 : i32
    %scan3A_24 = arith.constant 16 : i32
    %scan3A_25 = arith.addi %scan3A_23, %scan3A_24 : i32
    %scan3A_26 = arith.constant 1 : i32
    %scan3A_27 = scf.for %scan3A_52 = %scan3A_23 to %scan3A_25 step %scan3A_26 iter_args(%scan3A_53 = %scan3A) -> (i32)  : i32 {
      %mul3A_54 = arith.constant 4 : i32
      %mul3A_55 = arith.muli %scan3A_52, %mul3A_54 : i32
      %add3A_56 = arith.constant 0 : i32
      %add3A_57 = arith.addi %mul3A_55, %add3A_56 : i32
      %dma_wait3A_58 = arith.constant 0 : i32
      %dma_wait3A_59 = tpu.memref_slice %arg5[%add3A_57, %dma_wait3A_58] : memref<64x8xi32, #tpu.memory_space<vmem>> -> memref<1x8xi32, #tpu.memory_space<vmem>>
      %dma_wait3A_60 = tpu.memref_squeeze %dma_wait3A_59 : memref<1x8xi32, #tpu.memory_space<vmem>> -> memref<8xi32, #tpu.memory_space<vmem>>
      %dma_wait3A_61 = arith.constant 0 : i32
      %dma_wait3A_62 = arith.constant 0 : i32
      %dma_wait3A_63 = tpu.memref_slice %arg2[%dma_wait3A_61, %dma_wait3A_62] : memref<16384x2048xf32, #tpu.memory_space<hbm>> -> memref<16384x2048xf32, #tpu.memory_space<hbm>>
      tpu.wait_indirect_dma semaphore(%arg10 : memref<!tpu.dma_semaphore, #tpu.memory_space<semaphore_mem>>) src(%dma_wait3A_63 : memref<16384x2048xf32, #tpu.memory_space<hbm>>) dst(%arg6 : memref<8x2048xf32, #tpu.memory_space<vmem>>)
      %mul3A_64 = arith.constant 8 : i32
      %mul3A_65 = arith.muli %add3A_57, %mul3A_64 : i32
      %add3A_66 = arith.addi %mul3A_2, %mul3A_65 : i32
      %dma_start3A_67 = arith.constant 0 : i32
      %dma_start3A_68 = tpu.memref_slice %arg4[%add3A_66, %dma_start3A_67] : memref<16384x2048xf32, #tpu.memory_space<hbm>> -> memref<8x2048xf32, #tpu.memory_space<hbm>>
      %dma_start3A_69 = arith.constant 0 : i32
      %dma_start3A_70 = tpu.memref_slice %arg4[%add3A_66, %dma_start3A_69] : memref<16384x2048xf32, #tpu.memory_space<hbm>> -> memref<8x2048xf32, #tpu.memory_space<hbm>>
      tpu.enqueue_dma source(%arg6 : memref<8x2048xf32, #tpu.memory_space<vmem>>) target(%dma_start3A_70 : memref<8x2048xf32, #tpu.memory_space<hbm>>) target_semaphore(%arg14 : memref<!tpu.dma_semaphore, #tpu.memory_space<semaphore_mem>>)
      %eq3A = arith.constant 0 : i32
      %eq3A_71 = arith.cmpi eq, %scan3A_52, %eq3A : i32
      %convert_element_type3A = arith.extui %eq3A_71 : i1 to i32
      %cond3A = arith.constant 0 : i32
      %cond3A_72 = arith.cmpi ne, %convert_element_type3A, %cond3A : i32
      scf.if %cond3A_72 {
        %dma_start3A_143 = arith.constant 3 : i32
        %dma_start3A_144 = arith.constant 0 : i32
        %dma_start3A_145 = tpu.memref_slice %arg5[%dma_start3A_143, %dma_start3A_144] : memref<64x8xi32, #tpu.memory_space<vmem>> -> memref<1x8xi32, #tpu.memory_space<vmem>>
        %dma_start3A_146 = tpu.memref_squeeze %dma_start3A_145 : memref<1x8xi32, #tpu.memory_space<vmem>> -> memref<8xi32, #tpu.memory_space<vmem>>
        %dma_start3A_147 = arith.constant 0 : i32
        %dma_start3A_148 = arith.constant 0 : i32
        %dma_start3A_149 = tpu.memref_slice %arg2[%dma_start3A_147, %dma_start3A_148] : memref<16384x2048xf32, #tpu.memory_space<hbm>> -> memref<16384x2048xf32, #tpu.memory_space<hbm>>
        tpu.enqueue_indirect_dma source(%dma_start3A_149 : memref<16384x2048xf32, #tpu.memory_space<hbm>>) target(%arg9 : memref<8x2048xf32, #tpu.memory_space<vmem>>) offsets(%dma_start3A_146 : memref<8xi32, #tpu.memory_space<vmem>>) semaphore(%arg13 : memref<!tpu.dma_semaphore, #tpu.memory_space<semaphore_mem>>)
      } else {
      }
      %gt3A = arith.constant 0 : i32
      %gt3A_73 = arith.cmpi sgt, %scan3A_52, %gt3A : i32
      %convert_element_type3A_74 = arith.extui %gt3A_73 : i1 to i32
      %cond3A_75 = arith.constant 0 : i32
      %cond3A_76 = arith.cmpi ne, %convert_element_type3A_74, %cond3A_75 : i32
      scf.if %cond3A_76 {
        %sub3A = arith.constant 1 : i32
        %sub3A_143 = arith.subi %add3A_57, %sub3A : i32
        %mul3A_144 = arith.constant 8 : i32
        %mul3A_145 = arith.muli %sub3A_143, %mul3A_144 : i32
        %add3A_146 = arith.addi %mul3A_2, %mul3A_145 : i32
        %dma_wait3A_147 = arith.constant 0 : i32
        %dma_wait3A_148 = tpu.memref_slice %arg4[%add3A_146, %dma_wait3A_147] : memref<16384x2048xf32, #tpu.memory_space<hbm>> -> memref<8x2048xf32, #tpu.memory_space<hbm>>
        %dma_wait3A_149 = arith.constant 0 : i32
        %dma_wait3A_150 = tpu.memref_slice %arg4[%add3A_146, %dma_wait3A_149] : memref<16384x2048xf32, #tpu.memory_space<hbm>> -> memref<8x2048xf32, #tpu.memory_space<hbm>>
        tpu.wait_dma2 semaphore(%arg17 : memref<!tpu.dma_semaphore, #tpu.memory_space<semaphore_mem>>) src(%arg9 : memref<8x2048xf32, #tpu.memory_space<vmem>>) dst(%dma_wait3A_150 : memref<8x2048xf32, #tpu.memory_space<hbm>>)
        %add3A_151 = arith.constant 4 : i32
        %add3A_152 = arith.addi %add3A_57, %add3A_151 : i32
        %sub3A_153 = arith.constant 1 : i32
        %sub3A_154 = arith.subi %add3A_152, %sub3A_153 : i32
        %dma_start3A_155 = arith.constant 0 : i32
        %dma_start3A_156 = tpu.memref_slice %arg5[%sub3A_154, %dma_start3A_155] : memref<64x8xi32, #tpu.memory_space<vmem>> -> memref<1x8xi32, #tpu.memory_space<vmem>>
        %dma_start3A_157 = tpu.memref_squeeze %dma_start3A_156 : memref<1x8xi32, #tpu.memory_space<vmem>> -> memref<8xi32, #tpu.memory_space<vmem>>
        %dma_start3A_158 = arith.constant 0 : i32
        %dma_start3A_159 = arith.constant 0 : i32
        %dma_start3A_160 = tpu.memref_slice %arg2[%dma_start3A_158, %dma_start3A_159] : memref<16384x2048xf32, #tpu.memory_space<hbm>> -> memref<16384x2048xf32, #tpu.memory_space<hbm>>
        tpu.enqueue_indirect_dma source(%dma_start3A_160 : memref<16384x2048xf32, #tpu.memory_space<hbm>>) target(%arg9 : memref<8x2048xf32, #tpu.memory_space<vmem>>) offsets(%dma_start3A_157 : memref<8xi32, #tpu.memory_space<vmem>>) semaphore(%arg13 : memref<!tpu.dma_semaphore, #tpu.memory_space<semaphore_mem>>)
      } else {
      }
      %mul3A_77 = arith.constant 4 : i32
      %mul3A_78 = arith.muli %scan3A_52, %mul3A_77 : i32
      %add3A_79 = arith.constant 1 : i32
      %add3A_80 = arith.addi %mul3A_78, %add3A_79 : i32
      %dma_wait3A_81 = arith.constant 0 : i32
      %dma_wait3A_82 = tpu.memref_slice %arg5[%add3A_80, %dma_wait3A_81] : memref<64x8xi32, #tpu.memory_space<vmem>> -> memref<1x8xi32, #tpu.memory_space<vmem>>
      %dma_wait3A_83 = tpu.memref_squeeze %dma_wait3A_82 : memref<1x8xi32, #tpu.memory_space<vmem>> -> memref<8xi32, #tpu.memory_space<vmem>>
      %dma_wait3A_84 = arith.constant 0 : i32
      %dma_wait3A_85 = arith.constant 0 : i32
      %dma_wait3A_86 = tpu.memref_slice %arg2[%dma_wait3A_84, %dma_wait3A_85] : memref<16384x2048xf32, #tpu.memory_space<hbm>> -> memref<16384x2048xf32, #tpu.memory_space<hbm>>
      tpu.wait_indirect_dma semaphore(%arg11 : memref<!tpu.dma_semaphore, #tpu.memory_space<semaphore_mem>>) src(%dma_wait3A_86 : memref<16384x2048xf32, #tpu.memory_space<hbm>>) dst(%arg7 : memref<8x2048xf32, #tpu.memory_space<vmem>>)
      %mul3A_87 = arith.constant 8 : i32
      %mul3A_88 = arith.muli %add3A_80, %mul3A_87 : i32
      %add3A_89 = arith.addi %mul3A_2, %mul3A_88 : i32
      %dma_start3A_90 = arith.constant 0 : i32
      %dma_start3A_91 = tpu.memref_slice %arg4[%add3A_89, %dma_start3A_90] : memref<16384x2048xf32, #tpu.memory_space<hbm>> -> memref<8x2048xf32, #tpu.memory_space<hbm>>
      %dma_start3A_92 = arith.constant 0 : i32
      %dma_start3A_93 = tpu.memref_slice %arg4[%add3A_89, %dma_start3A_92] : memref<16384x2048xf32, #tpu.memory_space<hbm>> -> memref<8x2048xf32, #tpu.memory_space<hbm>>
      tpu.enqueue_dma source(%arg7 : memref<8x2048xf32, #tpu.memory_space<vmem>>) target(%dma_start3A_93 : memref<8x2048xf32, #tpu.memory_space<hbm>>) target_semaphore(%arg15 : memref<!tpu.dma_semaphore, #tpu.memory_space<semaphore_mem>>)
      %lt3A = arith.constant 15 : i32
      %lt3A_94 = arith.cmpi slt, %scan3A_52, %lt3A : i32
      %convert_element_type3A_95 = arith.extui %lt3A_94 : i1 to i32
      %cond3A_96 = arith.constant 0 : i32
      %cond3A_97 = arith.cmpi ne, %convert_element_type3A_95, %cond3A_96 : i32
      scf.if %cond3A_97 {
        %sub3A = arith.constant 1 : i32
        %sub3A_143 = arith.subi %add3A_80, %sub3A : i32
        %mul3A_144 = arith.constant 8 : i32
        %mul3A_145 = arith.muli %sub3A_143, %mul3A_144 : i32
        %add3A_146 = arith.addi %mul3A_2, %mul3A_145 : i32
        %dma_wait3A_147 = arith.constant 0 : i32
        %dma_wait3A_148 = tpu.memref_slice %arg4[%add3A_146, %dma_wait3A_147] : memref<16384x2048xf32, #tpu.memory_space<hbm>> -> memref<8x2048xf32, #tpu.memory_space<hbm>>
        %dma_wait3A_149 = arith.constant 0 : i32
        %dma_wait3A_150 = tpu.memref_slice %arg4[%add3A_146, %dma_wait3A_149] : memref<16384x2048xf32, #tpu.memory_space<hbm>> -> memref<8x2048xf32, #tpu.memory_space<hbm>>
        tpu.wait_dma2 semaphore(%arg14 : memref<!tpu.dma_semaphore, #tpu.memory_space<semaphore_mem>>) src(%arg6 : memref<8x2048xf32, #tpu.memory_space<vmem>>) dst(%dma_wait3A_150 : memref<8x2048xf32, #tpu.memory_space<hbm>>)
        %add3A_151 = arith.constant 4 : i32
        %add3A_152 = arith.addi %add3A_80, %add3A_151 : i32
        %sub3A_153 = arith.constant 1 : i32
        %sub3A_154 = arith.subi %add3A_152, %sub3A_153 : i32
        %dma_start3A_155 = arith.constant 0 : i32
        %dma_start3A_156 = tpu.memref_slice %arg5[%sub3A_154, %dma_start3A_155] : memref<64x8xi32, #tpu.memory_space<vmem>> -> memref<1x8xi32, #tpu.memory_space<vmem>>
        %dma_start3A_157 = tpu.memref_squeeze %dma_start3A_156 : memref<1x8xi32, #tpu.memory_space<vmem>> -> memref<8xi32, #tpu.memory_space<vmem>>
        %dma_start3A_158 = arith.constant 0 : i32
        %dma_start3A_159 = arith.constant 0 : i32
        %dma_start3A_160 = tpu.memref_slice %arg2[%dma_start3A_158, %dma_start3A_159] : memref<16384x2048xf32, #tpu.memory_space<hbm>> -> memref<16384x2048xf32, #tpu.memory_space<hbm>>
        tpu.enqueue_indirect_dma source(%dma_start3A_160 : memref<16384x2048xf32, #tpu.memory_space<hbm>>) target(%arg6 : memref<8x2048xf32, #tpu.memory_space<vmem>>) offsets(%dma_start3A_157 : memref<8xi32, #tpu.memory_space<vmem>>) semaphore(%arg10 : memref<!tpu.dma_semaphore, #tpu.memory_space<semaphore_mem>>)
      } else {
      }
      %mul3A_98 = arith.constant 4 : i32
      %mul3A_99 = arith.muli %scan3A_52, %mul3A_98 : i32
      %add3A_100 = arith.constant 2 : i32
      %add3A_101 = arith.addi %mul3A_99, %add3A_100 : i32
      %dma_wait3A_102 = arith.constant 0 : i32
      %dma_wait3A_103 = tpu.memref_slice %arg5[%add3A_101, %dma_wait3A_102] : memref<64x8xi32, #tpu.memory_space<vmem>> -> memref<1x8xi32, #tpu.memory_space<vmem>>
      %dma_wait3A_104 = tpu.memref_squeeze %dma_wait3A_103 : memref<1x8xi32, #tpu.memory_space<vmem>> -> memref<8xi32, #tpu.memory_space<vmem>>
      %dma_wait3A_105 = arith.constant 0 : i32
      %dma_wait3A_106 = arith.constant 0 : i32
      %dma_wait3A_107 = tpu.memref_slice %arg2[%dma_wait3A_105, %dma_wait3A_106] : memref<16384x2048xf32, #tpu.memory_space<hbm>> -> memref<16384x2048xf32, #tpu.memory_space<hbm>>
      tpu.wait_indirect_dma semaphore(%arg12 : memref<!tpu.dma_semaphore, #tpu.memory_space<semaphore_mem>>) src(%dma_wait3A_107 : memref<16384x2048xf32, #tpu.memory_space<hbm>>) dst(%arg8 : memref<8x2048xf32, #tpu.memory_space<vmem>>)
      %mul3A_108 = arith.constant 8 : i32
      %mul3A_109 = arith.muli %add3A_101, %mul3A_108 : i32
      %add3A_110 = arith.addi %mul3A_2, %mul3A_109 : i32
      %dma_start3A_111 = arith.constant 0 : i32
      %dma_start3A_112 = tpu.memref_slice %arg4[%add3A_110, %dma_start3A_111] : memref<16384x2048xf32, #tpu.memory_space<hbm>> -> memref<8x2048xf32, #tpu.memory_space<hbm>>
      %dma_start3A_113 = arith.constant 0 : i32
      %dma_start3A_114 = tpu.memref_slice %arg4[%add3A_110, %dma_start3A_113] : memref<16384x2048xf32, #tpu.memory_space<hbm>> -> memref<8x2048xf32, #tpu.memory_space<hbm>>
      tpu.enqueue_dma source(%arg8 : memref<8x2048xf32, #tpu.memory_space<vmem>>) target(%dma_start3A_114 : memref<8x2048xf32, #tpu.memory_space<hbm>>) target_semaphore(%arg16 : memref<!tpu.dma_semaphore, #tpu.memory_space<semaphore_mem>>)
      %lt3A_115 = arith.constant 15 : i32
      %lt3A_116 = arith.cmpi slt, %scan3A_52, %lt3A_115 : i32
      %convert_element_type3A_117 = arith.extui %lt3A_116 : i1 to i32
      %cond3A_118 = arith.constant 0 : i32
      %cond3A_119 = arith.cmpi ne, %convert_element_type3A_117, %cond3A_118 : i32
      scf.if %cond3A_119 {
        %sub3A = arith.constant 1 : i32
        %sub3A_143 = arith.subi %add3A_101, %sub3A : i32
        %mul3A_144 = arith.constant 8 : i32
        %mul3A_145 = arith.muli %sub3A_143, %mul3A_144 : i32
        %add3A_146 = arith.addi %mul3A_2, %mul3A_145 : i32
        %dma_wait3A_147 = arith.constant 0 : i32
        %dma_wait3A_148 = tpu.memref_slice %arg4[%add3A_146, %dma_wait3A_147] : memref<16384x2048xf32, #tpu.memory_space<hbm>> -> memref<8x2048xf32, #tpu.memory_space<hbm>>
        %dma_wait3A_149 = arith.constant 0 : i32
        %dma_wait3A_150 = tpu.memref_slice %arg4[%add3A_146, %dma_wait3A_149] : memref<16384x2048xf32, #tpu.memory_space<hbm>> -> memref<8x2048xf32, #tpu.memory_space<hbm>>
        tpu.wait_dma2 semaphore(%arg15 : memref<!tpu.dma_semaphore, #tpu.memory_space<semaphore_mem>>) src(%arg7 : memref<8x2048xf32, #tpu.memory_space<vmem>>) dst(%dma_wait3A_150 : memref<8x2048xf32, #tpu.memory_space<hbm>>)
        %add3A_151 = arith.constant 4 : i32
        %add3A_152 = arith.addi %add3A_101, %add3A_151 : i32
        %sub3A_153 = arith.constant 1 : i32
        %sub3A_154 = arith.subi %add3A_152, %sub3A_153 : i32
        %dma_start3A_155 = arith.constant 0 : i32
        %dma_start3A_156 = tpu.memref_slice %arg5[%sub3A_154, %dma_start3A_155] : memref<64x8xi32, #tpu.memory_space<vmem>> -> memref<1x8xi32, #tpu.memory_space<vmem>>
        %dma_start3A_157 = tpu.memref_squeeze %dma_start3A_156 : memref<1x8xi32, #tpu.memory_space<vmem>> -> memref<8xi32, #tpu.memory_space<vmem>>
        %dma_start3A_158 = arith.constant 0 : i32
        %dma_start3A_159 = arith.constant 0 : i32
        %dma_start3A_160 = tpu.memref_slice %arg2[%dma_start3A_158, %dma_start3A_159] : memref<16384x2048xf32, #tpu.memory_space<hbm>> -> memref<16384x2048xf32, #tpu.memory_space<hbm>>
        tpu.enqueue_indirect_dma source(%dma_start3A_160 : memref<16384x2048xf32, #tpu.memory_space<hbm>>) target(%arg7 : memref<8x2048xf32, #tpu.memory_space<vmem>>) offsets(%dma_start3A_157 : memref<8xi32, #tpu.memory_space<vmem>>) semaphore(%arg11 : memref<!tpu.dma_semaphore, #tpu.memory_space<semaphore_mem>>)
      } else {
      }
      %mul3A_120 = arith.constant 4 : i32
      %mul3A_121 = arith.muli %scan3A_52, %mul3A_120 : i32
      %add3A_122 = arith.constant 3 : i32
      %add3A_123 = arith.addi %mul3A_121, %add3A_122 : i32
      %dma_wait3A_124 = arith.constant 0 : i32
      %dma_wait3A_125 = tpu.memref_slice %arg5[%add3A_123, %dma_wait3A_124] : memref<64x8xi32, #tpu.memory_space<vmem>> -> memref<1x8xi32, #tpu.memory_space<vmem>>
      %dma_wait3A_126 = tpu.memref_squeeze %dma_wait3A_125 : memref<1x8xi32, #tpu.memory_space<vmem>> -> memref<8xi32, #tpu.memory_space<vmem>>
      %dma_wait3A_127 = arith.constant 0 : i32
      %dma_wait3A_128 = arith.constant 0 : i32
      %dma_wait3A_129 = tpu.memref_slice %arg2[%dma_wait3A_127, %dma_wait3A_128] : memref<16384x2048xf32, #tpu.memory_space<hbm>> -> memref<16384x2048xf32, #tpu.memory_space<hbm>>
      tpu.wait_indirect_dma semaphore(%arg13 : memref<!tpu.dma_semaphore, #tpu.memory_space<semaphore_mem>>) src(%dma_wait3A_129 : memref<16384x2048xf32, #tpu.memory_space<hbm>>) dst(%arg9 : memref<8x2048xf32, #tpu.memory_space<vmem>>)
      %mul3A_130 = arith.constant 8 : i32
      %mul3A_131 = arith.muli %add3A_123, %mul3A_130 : i32
      %add3A_132 = arith.addi %mul3A_2, %mul3A_131 : i32
      %dma_start3A_133 = arith.constant 0 : i32
      %dma_start3A_134 = tpu.memref_slice %arg4[%add3A_132, %dma_start3A_133] : memref<16384x2048xf32, #tpu.memory_space<hbm>> -> memref<8x2048xf32, #tpu.memory_space<hbm>>
      %dma_start3A_135 = arith.constant 0 : i32
      %dma_start3A_136 = tpu.memref_slice %arg4[%add3A_132, %dma_start3A_135] : memref<16384x2048xf32, #tpu.memory_space<hbm>> -> memref<8x2048xf32, #tpu.memory_space<hbm>>
      tpu.enqueue_dma source(%arg9 : memref<8x2048xf32, #tpu.memory_space<vmem>>) target(%dma_start3A_136 : memref<8x2048xf32, #tpu.memory_space<hbm>>) target_semaphore(%arg17 : memref<!tpu.dma_semaphore, #tpu.memory_space<semaphore_mem>>)
      %lt3A_137 = arith.constant 15 : i32
      %lt3A_138 = arith.cmpi slt, %scan3A_52, %lt3A_137 : i32
      %convert_element_type3A_139 = arith.extui %lt3A_138 : i1 to i32
      %cond3A_140 = arith.constant 0 : i32
      %cond3A_141 = arith.cmpi ne, %convert_element_type3A_139, %cond3A_140 : i32
      scf.if %cond3A_141 {
        %sub3A = arith.constant 1 : i32
        %sub3A_143 = arith.subi %add3A_123, %sub3A : i32
        %mul3A_144 = arith.constant 8 : i32
        %mul3A_145 = arith.muli %sub3A_143, %mul3A_144 : i32
        %add3A_146 = arith.addi %mul3A_2, %mul3A_145 : i32
        %dma_wait3A_147 = arith.constant 0 : i32
        %dma_wait3A_148 = tpu.memref_slice %arg4[%add3A_146, %dma_wait3A_147] : memref<16384x2048xf32, #tpu.memory_space<hbm>> -> memref<8x2048xf32, #tpu.memory_space<hbm>>
        %dma_wait3A_149 = arith.constant 0 : i32
        %dma_wait3A_150 = tpu.memref_slice %arg4[%add3A_146, %dma_wait3A_149] : memref<16384x2048xf32, #tpu.memory_space<hbm>> -> memref<8x2048xf32, #tpu.memory_space<hbm>>
        tpu.wait_dma2 semaphore(%arg16 : memref<!tpu.dma_semaphore, #tpu.memory_space<semaphore_mem>>) src(%arg8 : memref<8x2048xf32, #tpu.memory_space<vmem>>) dst(%dma_wait3A_150 : memref<8x2048xf32, #tpu.memory_space<hbm>>)
        %add3A_151 = arith.constant 4 : i32
        %add3A_152 = arith.addi %add3A_123, %add3A_151 : i32
        %sub3A_153 = arith.constant 1 : i32
        %sub3A_154 = arith.subi %add3A_152, %sub3A_153 : i32
        %dma_start3A_155 = arith.constant 0 : i32
        %dma_start3A_156 = tpu.memref_slice %arg5[%sub3A_154, %dma_start3A_155] : memref<64x8xi32, #tpu.memory_space<vmem>> -> memref<1x8xi32, #tpu.memory_space<vmem>>
        %dma_start3A_157 = tpu.memref_squeeze %dma_start3A_156 : memref<1x8xi32, #tpu.memory_space<vmem>> -> memref<8xi32, #tpu.memory_space<vmem>>
        %dma_start3A_158 = arith.constant 0 : i32
        %dma_start3A_159 = arith.constant 0 : i32
        %dma_start3A_160 = tpu.memref_slice %arg2[%dma_start3A_158, %dma_start3A_159] : memref<16384x2048xf32, #tpu.memory_space<hbm>> -> memref<16384x2048xf32, #tpu.memory_space<hbm>>
        tpu.enqueue_indirect_dma source(%dma_start3A_160 : memref<16384x2048xf32, #tpu.memory_space<hbm>>) target(%arg8 : memref<8x2048xf32, #tpu.memory_space<vmem>>) offsets(%dma_start3A_157 : memref<8xi32, #tpu.memory_space<vmem>>) semaphore(%arg12 : memref<!tpu.dma_semaphore, #tpu.memory_space<semaphore_mem>>)
      } else {
      }
      %scan3A_142 = arith.constant 0 : i32
      scf.yield %scan3A_142 : i32
    }
    %scan3A_28 = arith.constant 16 : i32
    %add3A_29 = arith.constant 480 : i32
    %add3A_30 = arith.addi %mul3A_2, %add3A_29 : i32
    %dma_wait3A = arith.constant 0 : i32
    %dma_wait3A_31 = tpu.memref_slice %arg4[%add3A_30, %dma_wait3A] : memref<16384x2048xf32, #tpu.memory_space<hbm>> -> memref<8x2048xf32, #tpu.memory_space<hbm>>
    %dma_wait3A_32 = arith.constant 0 : i32
    %dma_wait3A_33 = tpu.memref_slice %arg4[%add3A_30, %dma_wait3A_32] : memref<16384x2048xf32, #tpu.memory_space<hbm>> -> memref<8x2048xf32, #tpu.memory_space<hbm>>
    tpu.wait_dma2 semaphore(%arg14 : memref<!tpu.dma_semaphore, #tpu.memory_space<semaphore_mem>>) src(%arg6 : memref<8x2048xf32, #tpu.memory_space<vmem>>) dst(%dma_wait3A_33 : memref<8x2048xf32, #tpu.memory_space<hbm>>)
    %add3A_34 = arith.constant 488 : i32
    %add3A_35 = arith.addi %mul3A_2, %add3A_34 : i32
    %dma_wait3A_36 = arith.constant 0 : i32
    %dma_wait3A_37 = tpu.memref_slice %arg4[%add3A_35, %dma_wait3A_36] : memref<16384x2048xf32, #tpu.memory_space<hbm>> -> memref<8x2048xf32, #tpu.memory_space<hbm>>
    %dma_wait3A_38 = arith.constant 0 : i32
    %dma_wait3A_39 = tpu.memref_slice %arg4[%add3A_35, %dma_wait3A_38] : memref<16384x2048xf32, #tpu.memory_space<hbm>> -> memref<8x2048xf32, #tpu.memory_space<hbm>>
    tpu.wait_dma2 semaphore(%arg15 : memref<!tpu.dma_semaphore, #tpu.memory_space<semaphore_mem>>) src(%arg7 : memref<8x2048xf32, #tpu.memory_space<vmem>>) dst(%dma_wait3A_39 : memref<8x2048xf32, #tpu.memory_space<hbm>>)
    %add3A_40 = arith.constant 496 : i32
    %add3A_41 = arith.addi %mul3A_2, %add3A_40 : i32
    %dma_wait3A_42 = arith.constant 0 : i32
    %dma_wait3A_43 = tpu.memref_slice %arg4[%add3A_41, %dma_wait3A_42] : memref<16384x2048xf32, #tpu.memory_space<hbm>> -> memref<8x2048xf32, #tpu.memory_space<hbm>>
    %dma_wait3A_44 = arith.constant 0 : i32
    %dma_wait3A_45 = tpu.memref_slice %arg4[%add3A_41, %dma_wait3A_44] : memref<16384x2048xf32, #tpu.memory_space<hbm>> -> memref<8x2048xf32, #tpu.memory_space<hbm>>
    tpu.wait_dma2 semaphore(%arg16 : memref<!tpu.dma_semaphore, #tpu.memory_space<semaphore_mem>>) src(%arg8 : memref<8x2048xf32, #tpu.memory_space<vmem>>) dst(%dma_wait3A_45 : memref<8x2048xf32, #tpu.memory_space<hbm>>)
    %add3A_46 = arith.constant 504 : i32
    %add3A_47 = arith.addi %mul3A_2, %add3A_46 : i32
    %dma_wait3A_48 = arith.constant 0 : i32
    %dma_wait3A_49 = tpu.memref_slice %arg4[%add3A_47, %dma_wait3A_48] : memref<16384x2048xf32, #tpu.memory_space<hbm>> -> memref<8x2048xf32, #tpu.memory_space<hbm>>
    %dma_wait3A_50 = arith.constant 0 : i32
    %dma_wait3A_51 = tpu.memref_slice %arg4[%add3A_47, %dma_wait3A_50] : memref<16384x2048xf32, #tpu.memory_space<hbm>> -> memref<8x2048xf32, #tpu.memory_space<hbm>>
    tpu.wait_dma2 semaphore(%arg17 : memref<!tpu.dma_semaphore, #tpu.memory_space<semaphore_mem>>) src(%arg9 : memref<8x2048xf32, #tpu.memory_space<vmem>>) dst(%dma_wait3A_51 : memref<8x2048xf32, #tpu.memory_space<hbm>>)
    return
  }
}

</mosaic_0001>

<sc_bundles>
// kernel: _sc_gather.3.cloned.1.call-start
scs
__scs_entry_jumppad:
0x0: {  	(pc) =	sbr.rel $0x88, $3  }
0x1: {  	(tag) =	ssettag $0x0;
	lr =	simm.s32 $0x1  }
0x2: {  	[smem:$0x3F9F] =	sst lr;
	_ =	strace $0xD0000000  }
0x3: {  	_ = 	snop  }
0x4: {  	_ = 	snop  }
0x5: {  	_ = 	snop  }
0x6: {  	_ = 	snop  }
0x7: {  	_ = 	snop  }
__scs_overlays_trampoline_lowered:
0x8: {  	[smem:$0x3FAE] =	sst s0  }
0x9: {  	[smem:$0x3FAF] =	sst s1  }
0xa: {  	[smem:$0x3FB0] =	sst s2  }
0xb: {  	[smem:$0x3FB1] =	sst s3  }
0xc: {  	[smem:$0x3FB2] =	sst s4  }
0xd: {  	[smem:$0x3FB3] =	sst s5  }
0xe: {  	[smem:$0x3FB4] =	sst s6  }
0xf: {  	[smem:$0x3FB5] =	sst s7  }
0x10: {  	[smem:$0x3FB6] =	sst s8  }
0x11: {  	[smem:$0x3FB7] =	sst s9;
	s0 =	simm.s32 @!p0 $0x0  }
0x12: {  	s1 =	sld [smem:$0x3F9D];
	s0 =	simm.s32 @p0 $0x1  }
0x13: {  	[smem:$0x3FB8] =	sst s0;
	s0 =	simm.s32 @!p1 $0x0  }
0x14: {  	s2 =	sld [smem:$0x3F9C];
	s0 =	simm.s32 @p1 $0x1  }
0x15: {  	[smem:$0x3FB9] =	sst s0;
	s0 =	simm.s32 @!p2 $0x0  }
0x16: {  	s3 =	sld [smem:$0x3FDB];
	s0 =	simm.s32 @p2 $0x1  }
0x17: {  	s4 =	simm.s32 $0x1BF5;
	[smem:$0x3FBB] =	sst s0  }
0x18: {  	s0 =	sld [smem:$0x3F9E];
	_ =	swait.ge [sflag:s4], $0x0  }
0x19: {  	s7 =	sld [smem:$0x3F9F]  }
0x1a: {  	s8 =	sadd.s32 $0xFFFFE003, lr  }
0x1b: {  	s9 =	sadd.s32 $0xFFFFFEF7, lr;
	s5 =	simm.s32 $0xFFFFFFFF;
	p2 =	slt.u32 s8, $0xFFFFF086  }
0x1c: {  	p1 =	slt.u32 s9, $0xF7A;
	s5 =	simm.s32 @!p2 $0x0  }
0x1d: {  	s5 =	simm.s32 @p1 $0x1;
	p0 =	seq.s32 s7, s2  }
0x1e: {  	s7 =	smul.u32 @!p0 $0xF7A, s2;
	p2 =	seq.s32 @!p0 s5, $0x0  }
0x1f: {  	s9 =	smul.u32 $0xF7A, s1;
	s8 =	simm.s32 @!p0 $0x1BF5;
	p2 =	por !p2, p0  }
0x20: {  	[sflag:s8] =	ssyncset.s32 @!p0 $0xFFFFF086;
	s6 =	sadd.s32 @!p0 s3, s7;
	s7 =	simm.s32 @!p0 $0x108  }
0x21: {  	s3 =	sadd.s32 s3, s9;
	s6 =	sadd.s32 @!p0 $0x88, s6;
	s7 =	simm.s32 @p2 $0x1082  }
0x22: {  	[simem:s7], [sflag:s8] =	dma.local @!p0 [hbm:s6], $0xF7A  }
0x23: {  	s9 =	sor.u32 $0xD0000000, s2;
	s6 =	simm.s32 $0x108;
	_ =	swait.ge @!p0 [sflag:s8], $0x0  }
0x24: {  	s3 =	sadd.s32 $0x88, s3;
	s6 =	simm.s32 @!p1 $0x1082;
	[sflag:s4] =	ssyncset.s32 $0xFFFFF086  }
0x25: {  	[simem:s6], [sflag:s4] =	dma.local [hbm:s3], $0xF7A  }
0x26: {  	[smem:$0x3F9F] =	sst s1;
	(tag) =	ssettag s2;
	_ =	strace s9  }
0x27: {  	s1 =	sld [smem:$0x3FAF]  }
0x28: {  	s2 =	sld [smem:$0x3FB0]  }
0x29: {  	s4 =	sld [smem:$0x3FB2]  }
0x2a: {  	p0 =	seq.s32 s5, $0x0;
	s5 =	sld [smem:$0x3FB3]  }
0x2b: {  	s6 =	sld [smem:$0x3FB4]  }
0x2c: {  	s7 =	sld [smem:$0x3FB5]  }
0x2d: {  	s3 =	simm.s32 $0x108;
	s8 =	sld [smem:$0x3FB6]  }
0x2e: {  	s3 =	simm.s32 @!p0 $0x1082;
	s9 =	sld [smem:$0x3FB7]  }
0x2f: {  	lr =	sadd.s32 s0, s3;
	s0 =	sld [smem:$0x3FAE]  }
0x30: {  	s3 =	sld [smem:$0x3FB1]  }
0x31: {  	[smem:$0x3FBA] =	sst s10  }
0x32: {  	s10 =	sld [smem:$0x3FB8];
	_ =	sdelay $0x3  }
0x33: {  	p0 =	seq.s32 s10, $0x1;
	s10 =	sld [smem:$0x3FBA];
	_ =	sdelay $0x3  }
0x34: {  	[smem:$0x3FBA] =	sst s10  }
0x35: {  	s10 =	sld [smem:$0x3FB9];
	_ =	sdelay $0x3  }
0x36: {  	p1 =	seq.s32 s10, $0x1;
	s10 =	sld [smem:$0x3FBA];
	_ =	sdelay $0x3  }
0x37: {  	[smem:$0x3FBA] =	sst s10  }
0x38: {  	s10 =	sld [smem:$0x3FBB]  }
0x39: {  	_ = 	snop;
	(pc) =	sbr.ind lr, $3  }
0x3a: {  	_ = 	snop  }
0x3b: {  	_ = 	snop  }
0x3c: {  	p2 =	seq.s32 s10, $0x1;
	s10 =	sld [smem:$0x3FBA]  }
0x3d: {  	_ =	shalt  }
0x3e: {  	_ =	shalt  }
0x3f: {  	_ =	shalt  }
0x40: {  	_ =	shalt  }
0x41: {  	_ =	shalt  }
0x42: {  	_ =	shalt  }
0x43: {  	_ =	shalt  }
0x44: {  	_ =	shalt  }
0x45: {  	_ =	shalt  }
0x46: {  	_ =	shalt  }
0x47: {  	_ =	shalt  }
0x48: {  	_ =	shalt  }
0x49: {  	_ =	shalt  }
0x4a: {  	_ =	shalt  }
0x4b: {  	_ =	shalt  }
0x4c: {  	_ =	shalt  }
0x4d: {  	_ =	shalt  }
0x4e: {  	_ =	shalt  }
0x4f: {  	_ =	shalt  }
0x50: {  	_ =	shalt  }
0x51: {  	_ =	shalt  }
0x52: {  	_ =	shalt  }
0x53: {  	_ =	shalt  }
0x54: {  	_ =	shalt  }
0x55: {  	_ =	shalt  }
0x56: {  	_ =	shalt  }
0x57: {  	_ =	shalt  }
0x58: {  	_ =	shalt  }
0x59: {  	_ =	shalt  }
0x5a: {  	_ =	shalt  }
0x5b: {  	_ =	shalt  }
0x5c: {  	_ =	shalt  }
0x5d: {  	_ =	shalt  }
0x5e: {  	_ =	shalt  }
0x5f: {  	_ =	shalt  }
0x60: {  	_ =	shalt  }
0x61: {  	_ =	shalt  }
0x62: {  	_ =	shalt  }
0x63: {  	_ =	shalt  }
0x64: {  	_ =	shalt  }
0x65: {  	_ =	shalt  }
0x66: {  	_ =	shalt  }
0x67: {  	_ =	shalt  }
0x68: {  	_ =	shalt  }
0x69: {  	_ =	shalt  }
0x6a: {  	_ =	shalt  }
0x6b: {  	_ =	shalt  }
0x6c: {  	_ =	shalt  }
0x6d: {  	_ =	shalt  }
0x6e: {  	_ =	shalt  }
0x6f: {  	_ =	shalt  }
0x70: {  	_ =	shalt  }
0x71: {  	_ =	shalt  }
0x72: {  	_ =	shalt  }
0x73: {  	_ =	shalt  }
0x74: {  	_ =	shalt  }
0x75: {  	_ =	shalt  }
0x76: {  	_ =	shalt  }
0x77: {  	_ =	shalt  }
0x78: {  	_ =	shalt  }
0x79: {  	_ =	shalt  }
0x7a: {  	_ =	shalt  }
0x7b: {  	_ =	shalt  }
0x7c: {  	_ =	shalt  }
0x7d: {  	_ =	shalt  }
0x7e: {  	_ =	shalt  }
0x7f: {  	_ =	shalt  }
0x80: {  	_ =	shalt  }
0x81: {  	_ =	shalt  }
0x82: {  	_ =	shalt  }
0x83: {  	_ =	shalt  }
0x84: {  	_ =	shalt  }
0x85: {  	_ =	shalt  }
0x86: {  	_ =	shalt  }
0x87: {  	_ =	shalt  }
.Lfunc_end0:
.L_simem_size_0:
called_computation_lowered:
.L_overlay_start_0:
0x88: {  	s2 =	sld [smem:$0x3FD9]  }
0x89: {  	s3 =	sld [smem:$0x3FFE];
	_ =	sdelay $0x1  }
0x8a: {  	s1 =	srdreg.scid  }
0x8b: {  	s0 =	sand.u32 $0x1, s1  }
0x8c: {  	s17 =	sshll.u32 s0, $0xA;
	s2 =	sadd.s32 s3, s2  }
0x8d: {  	s2 =	sadd.s32 s2, s17  }
0x8e: {  	[smem:$0x3FC6] =	sst s2  }
0x8f: {  	_ = 	snop  }
0x90: {  	s2 =	sld [smem:$0x3FC9]  }
0x91: {  	s18 =	sld [smem:$0x3FD0];
	(tm) =	ssettm $0x1  }
0x92: {  	s4 =	sld [smem:$0x3FFB];
	_ =	sdelay $0x3  }
0x93: {  	_ =	strace s4  }
0x94: {  	s4 =	sld [smem:$0x3FFC];
	_ =	sdelay $0x3  }
0x95: {  	_ =	strace s4  }
0x96: {  	s4 =	sld [smem:$0x3FFD];
	_ =	sdelay $0x3  }
0x97: {  	_ =	strace s4  }
0x98: {  	_ =	strace $0x8FFFFFFF  }
0x99: {  	s19 =	sld [smem:$0x3FDB];
	_ =	sdelay $0x1  }
0x9a: {  	s5 =	simm.s32 $_scs_section_size  }
0x9b: {  	s6 =	simm.s32 $_size__tile_overlayer_lowered;
	s7 =	simm.s32 $_tile_overlayer_lowered  }
0x9c: {  	s22 =	simm.s32 $0x1BFF;
	s21 =	sshll.u32 s7, $0x1;
	s4 =	sadd.s32 s5, s19  }
0x9d: {  	s8 =	simm.s32 $0x0;
	s20 =	sshll.u32 s6, $0x1;
	s6 =	sadd.s32 s21, s4  }
0x9e: {  	[timem:s8], [sflag:s22] =	dma.local [hbm:s6], s20  }
0x9f: {  	_ =	swait.ge [sflag:s22], s20  }
0xa0: {  	s5 =	ssub.s32 $0x0, s20;
	[sflag:s22] =	ssyncset.done $0x0  }
0xa1: {  	[sflag:s22] =	ssyncadd.s32 s5;
	_ =	sdelay $0x1  }
0xa2: {  	s23 =	simm.s32 $0x1B8B  }
0xa3: {  	_ =	swait.ge [sflag:s23], $0x1  }
0xa4: {  	[sflag:s23] =	ssyncset.done $0x0  }
0xa5: {  	s25 =	simm.s32 $0x1B8E;
	s24 =	sld [smem:$0x3FFE];
	[sflag:s23] =	ssyncadd.s32 $0xFFFFFFFF  }
0xa6: {  	s26 =	simm.s32 $execute0_lowered;
	[smem:$0x3FD2] =	sst s25  }
0xa7: {  	s6 =	sshll.u32 s26, $0x1;
	_ =	strace $0x80000046;
	[dreg:$0x1] =	wrdreg $0xFFFFFFFF  }
0xa8: {  	s28 =	simm.s32 $_size_execute0_lowered;
	s4 =	sadd.s32 s4, s6;
	[dreg:$0x0] =	wrdreg $0x0  }
0xa9: {  	s6 =	sshll.u32 s28, $0x1;
	[dreg:$0x2] =	wrdreg s4  }
0xaa: {  	[dreg:$0x3] =	wrdreg s6  }
0xab: {  	[dreg:$0x4] =	wrdreg $0xC0  }
0xac: {  	_ =	task [dreg:s8], $0x5FFFF  }
0xad: {  	[dreg:$0x1] =	wrdreg $0xFFFFFFFF  }
0xae: {  	[dreg:$0x0] =	wrdreg $0x60  }
0xaf: {  	[dreg:$0x2] =	wrdreg s2  }
0xb0: {  	[dreg:$0x3] =	wrdreg s24  }
0xb1: {  	[dreg:$0x4] =	wrdreg s18  }
0xb2: {  	[dreg:$0x5] =	wrdreg $0x9  }
0xb3: {  	_ =	task.clear_ibuf [dreg:s8], $0x6FFFF;
	_ =	strace $0x90000046  }
0xb4: {  	s29 =	simm.s32 $0x9;
	_ =	strace $0x80000048  }
0xb5: {  	_ =	swait.ge [sflag:s29], $0x1  }
0xb6: {  	[sflag:s29] =	ssyncadd.s32 $0xFFFFFFFF  }
0xb7: {  	_ =	strace $0x90000048  }
0xb8: {  	_ =	sfence  }
0xb9: {  	s30 =	sld [smem:$0x0];
	_ =	sdelay $0x2  }
0xba: {  	s31 =	sshll.u32 s1, $0xD;
	s1 =	sshrl.u32 s1, $0x2  }
0xbb: {  	s3 =	sand.u32 $0x4000, s31;
	s1 =	sadd.s32 s1, s30  }
0xbc: {  	s0 =	sor.u32 s3, s0;
	s1 =	sshll.u32 s1, $0x11  }
0xbd: {  	s0 =	sor.u32 s1, s0  }
0xbe: {  	s0 =	sadd.s32 $0x8F2B, s0  }
0xbf: {  	[sflag:s0] =	ssyncadd.remote.s32 $0x1  }
0xc0: {  	_ =	sfence.sel $0xFFFF  }
0xc1: {  	[dreg:$0x0] =	wrdreg $0xFFFFFFFF;
	(pc) =	sbr.abs _section_cstart, $3  }
0xc2: {  	[dreg:$0x1] =	wrdreg $0xFFFFFFFF  }
0xc3: {  	_ =	task.clear_ibuf [dreg:s8], $0x2FFFF;
	_ =	strace $0x9FFFFFFF  }
0xc4: {  	(tm) =	ssettm $0x7FFFFFFF  }
0xc5: {  	_ =	shalt  }
tec
execute0_lowered:
.L_overlay_start_1:
0x0: {  	(tag) =	ssettag $0x1  }
0x1: {  	s2 =	rddreg [dreg:$0x0]  }
0x2: {  	s0 =	rddreg [dreg:$0x1]  }
0x3: {  	s1 =	srdreg.scid;
	s4 =	rddreg [dreg:$0x2]  }
0x4: {  	s10 =	stileid.u32;
	s3 =	simm.s32 $0x0;
	s20 =	simm.s32 $0xD000  }
0x5: {  	s21 =	simm.s32 $0xD800;
	s22 =	simm.s32 $0x1;
	s28 =	simm.s32 $0xF800  }
0x6: {  	s29 =	simm.s32 $0x10000;
	s30 =	simm.s32 $0x10800;
	s31 =	simm.s32 $0x11000  }
0x7: {  	s14 =	simm.s32 $0x3;
	s15 =	simm.s32 $0x4;
	s17 =	simm.s32 $0x0  }
0x8: {  	s1 =	sand.u32 $0x1, s1;
	s5 =	sshll.u32 s10, $0xB;
	[smem:$0x7FF] =	sst s3  }
0x9: {  	s7 =	sadd.s32 $0x300, s2;
	s8 =	sadd.s32 $0x400, s2;
	s9 =	sadd.s32 $0x500, s2  }
0xa: {  	s25 =	sshll.u32 s10, $0x12;
	s10 =	sadd.s32 $0x600, s2;
	s11 =	sadd.s32 $0x700, s2  }
0xb: {  	s6 =	sshll.u32 s1, $0xA;
	s23 =	ssub.s32 $0x2, s1;
	_ =	strace $0x80000047  }
0xc: {  	s1 =	sshll.u32 s1, $0x11;
	s5 =	sor.u32 s6, s5;
	s24 =	sshrl.u32 s23, $0x1  }
0xd: {  	s6 =	sadd.s32 $0x200, s2;
	s0 =	sadd.s32 s5, s0;
	s12 =	ssub.s32 s23, s24  }
.Ltmp0:
0xe: {  	s5 =	sadd.s32 $0x100, s2;
	s24 =	simm.s32 $0xE000;
	(pc) =	sbr.rel .LBB2_1-.Ltmp0, $4  }
0xf: {  	s23 =	simm.s32 $0x7;
	s0 =	sadd.s32 $0x400, s0;
	s26 =	smax.u32 s12, $0x1  }
0x10: {  	v0 =	vlaneseq.u32;
	s12 =	simm.s32 $0x2;
	[dreg:$0x4] =	wrdreg s0;
	s0 =	sadd.s32 s25, s4  }
0x11: {  	v1 =	vshrl.u32 v0, $0x3;
	[dreg:$0x5] =	wrdreg s26;
	s25 =	simm.s32 $0xE800;
	s26 =	simm.s32 $0xF000  }
0x12: {  	vm0 =	vmmov $0xffff;
	v0 =	vand.u32 $0x7, v0;
	v1 =	vmul.u32 $0x8, v1;
	s4 =	simm.s32 $0x11800;
	s13 =	sadd.s32 s1, s0;
	s0 =	simm.s32 $0xA000  }
.LBB2_4:
0x13: {  	s1 =	simm.s32 $0x5  }
0x14: {  	_ =	swait.ge [sflag:s1], $0x4000  }
0x15: {  	[sflag:s1] =	ssyncset.done $0x0  }
0x16: {  	s18 =	simm.s32 $0x6;
	[sflag:s1] =	ssyncadd.s32 $0xFFFFC000  }
0x17: {  	_ =	swait.ge [sflag:s18], $0x4000  }
0x18: {  	[sflag:s18] =	ssyncset.done $0x0  }
0x19: {  	[sflag:s18] =	ssyncadd.s32 $0xFFFFC000  }
0x1a: {  	_ =	swait.ge [sflag:s23], $0x4000  }
0x1b: {  	[sflag:s23] =	ssyncset.done $0x0  }
0x1c: {  	s16 =	simm.s32 $0x8;
	[sflag:s23] =	ssyncadd.s32 $0xFFFFC000  }
0x1d: {  	_ =	swait.ge [sflag:s16], $0x4000  }
0x1e: {  	s17 =	rddreg [dreg:$0x6]  }
0x1f: {  	s19 =	rddreg [dreg:$0x5];
	s17 =	sadd.s32 $0x1, s17  }
0x20: {  	p0 =	sne.s32 s17, s19  }
.Ltmp1:
0x21: {  	_ = 	snop;
	(pc) =	sbr.rel @!p0 .LBB2_5-.Ltmp1, $3  }
0x22: {  	_ =	sdelay $0x1  }
0x23: {  	[sflag:s16] =	ssyncset.done $0x0  }
0x24: {  	[sflag:s16] =	ssyncadd.s32 $0xFFFFC000  }
.LBB2_1:
0x25: {  	[dreg:$0x6] =	wrdreg s17  }
0x26: {  	s1 =	rddreg [dreg:$0x4];
	s18 =	simm.s32 $0x9  }
0x27: {  	[tilespmem:s3], [sflag:$0x9] =	stream.linear.gather [hbm4b:s1+s3], $0x2000, $0x38;
	[tilespmem:$0x12000] =	vst v63  }
0x28: {  	_ =	swait.ge [sflag:s18], $0x2000  }
0x29: {  	[sflag:s18] =	ssyncset.done $0x0  }
0x2a: {  	[sflag:s18] =	ssyncadd.s32 $0xFFFFE000  }
0x2b: {  	v2 =	vld.msk [tilespmem:$0x0], $0xff;
	_ =	sdelay $0x4  }
0x2c: {  	v3 =	vshll.u32 v2, $0x4  }
0x2d: {  	v2 =	vand.u32 $0x7, v2;
	v3 =	vand.u32 $0xFFFFFF80, v3  }
0x2e: {  	v2 =	vor.u32 v2, v3  }
0x2f: {  	v2 =	vperm.xlane v2, v0;
	_ =	sdelay $0x1  }
0x30: {  	v2 =	vadd.s32 v1, v2;
	_ =	sdelay $0x3  }
0x31: {  	s19 =	simm.s32 $0x2000  }
0x32: {  	[tilespmem:s19], [sflag:$0x1] =	stream.indirect_vreg.gather [hbm4b:s2+s3], $0x80, v2, vm0, $0xb8;
	[tilespmem:$0x12000] =	vst v63  }
0x33: {  	s16 =	simm.s32 $0x2800  }
0x34: {  	[tilespmem:s16], [sflag:$0x1] =	stream.indirect_vreg.gather [hbm4b:s5+s3], $0x80, v2, vm0, $0xb8;
	[tilespmem:$0x12000] =	vst v63  }
0x35: {  	s17 =	simm.s32 $0x3000  }
0x36: {  	[tilespmem:s17], [sflag:$0x1] =	stream.indirect_vreg.gather [hbm4b:s6+s3], $0x80, v2, vm0, $0xb8;
	[tilespmem:$0x12000] =	vst v63  }
0x37: {  	s18 =	simm.s32 $0x3800  }
0x38: {  	[tilespmem:s18], [sflag:$0x1] =	stream.indirect_vreg.gather [hbm4b:s7+s3], $0x80, v2, vm0, $0xb8;
	[tilespmem:$0x12000] =	vst v63  }
0x39: {  	s19 =	simm.s32 $0x4000  }
0x3a: {  	[tilespmem:s19], [sflag:$0x1] =	stream.indirect_vreg.gather [hbm4b:s8+s3], $0x80, v2, vm0, $0xb8;
	[tilespmem:$0x12000] =	vst v63  }
0x3b: {  	s16 =	simm.s32 $0x4800  }
0x3c: {  	[tilespmem:s16], [sflag:$0x1] =	stream.indirect_vreg.gather [hbm4b:s9+s3], $0x80, v2, vm0, $0xb8;
	[tilespmem:$0x12000] =	vst v63  }
0x3d: {  	s17 =	simm.s32 $0x5000  }
0x3e: {  	[tilespmem:s17], [sflag:$0x1] =	stream.indirect_vreg.gather [hbm4b:s10+s3], $0x80, v2, vm0, $0xb8;
	[tilespmem:$0x12000] =	vst v63  }
0x3f: {  	s18 =	simm.s32 $0x5800  }
0x40: {  	[tilespmem:s18], [sflag:$0x1] =	stream.indirect_vreg.gather [hbm4b:s11+s3], $0x80, v2, vm0, $0xb8;
	[tilespmem:$0x12000] =	vst v63  }
0x41: {  	v2 =	vld.msk [tilespmem:$0x80], $0xff;
	_ =	sdelay $0x4  }
0x42: {  	v3 =	vshll.u32 v2, $0x4  }
0x43: {  	v2 =	vand.u32 $0x7, v2;
	v3 =	vand.u32 $0xFFFFFF80, v3  }
0x44: {  	v2 =	vor.u32 v2, v3  }
0x45: {  	v2 =	vperm.xlane v2, v0;
	_ =	sdelay $0x1  }
0x46: {  	v2 =	vadd.s32 v1, v2;
	_ =	sdelay $0x3  }
0x47: {  	s19 =	simm.s32 $0x6000  }
0x48: {  	[tilespmem:s19], [sflag:$0x2] =	stream.indirect_vreg.gather [hbm4b:s2+s3], $0x80, v2, vm0, $0xb8;
	[tilespmem:$0x12000] =	vst v63  }
0x49: {  	s16 =	simm.s32 $0x6800  }
0x4a: {  	[tilespmem:s16], [sflag:$0x2] =	stream.indirect_vreg.gather [hbm4b:s5+s3], $0x80, v2, vm0, $0xb8;
	[tilespmem:$0x12000] =	vst v63  }
0x4b: {  	s17 =	simm.s32 $0x7000  }
0x4c: {  	[tilespmem:s17], [sflag:$0x2] =	stream.indirect_vreg.gather [hbm4b:s6+s3], $0x80, v2, vm0, $0xb8;
	[tilespmem:$0x12000] =	vst v63  }
0x4d: {  	s18 =	simm.s32 $0x7800  }
0x4e: {  	[tilespmem:s18], [sflag:$0x2] =	stream.indirect_vreg.gather [hbm4b:s7+s3], $0x80, v2, vm0, $0xb8;
	[tilespmem:$0x12000] =	vst v63  }
0x4f: {  	s19 =	simm.s32 $0x8000  }
0x50: {  	[tilespmem:s19], [sflag:$0x2] =	stream.indirect_vreg.gather [hbm4b:s8+s3], $0x80, v2, vm0, $0xb8;
	[tilespmem:$0x12000] =	vst v63  }
0x51: {  	s16 =	simm.s32 $0x8800  }
0x52: {  	[tilespmem:s16], [sflag:$0x2] =	stream.indirect_vreg.gather [hbm4b:s9+s3], $0x80, v2, vm0, $0xb8;
	[tilespmem:$0x12000] =	vst v63  }
0x53: {  	s17 =	simm.s32 $0x9000  }
0x54: {  	[tilespmem:s17], [sflag:$0x2] =	stream.indirect_vreg.gather [hbm4b:s10+s3], $0x80, v2, vm0, $0xb8;
	[tilespmem:$0x12000] =	vst v63  }
0x55: {  	s18 =	simm.s32 $0x9800  }
0x56: {  	[tilespmem:s18], [sflag:$0x2] =	stream.indirect_vreg.gather [hbm4b:s11+s3], $0x80, v2, vm0, $0xb8;
	[tilespmem:$0x12000] =	vst v63  }
0x57: {  	v2 =	vld.msk [tilespmem:$0x100], $0xff;
	_ =	sdelay $0x4  }
0x58: {  	v3 =	vshll.u32 v2, $0x4  }
0x59: {  	v2 =	vand.u32 $0x7, v2;
	v3 =	vand.u32 $0xFFFFFF80, v3  }
0x5a: {  	v2 =	vor.u32 v2, v3  }
0x5b: {  	v2 =	vperm.xlane v2, v0;
	_ =	sdelay $0x1  }
0x5c: {  	v2 =	vadd.s32 v1, v2;
	_ =	sdelay $0x4  }
0x5d: {  	[tilespmem:s0], [sflag:$0x3] =	stream.indirect_vreg.gather [hbm4b:s2+s3], $0x80, v2, vm0, $0xb8;
	[tilespmem:$0x12000] =	vst v63  }
0x5e: {  	s19 =	simm.s32 $0xA800  }
0x5f: {  	[tilespmem:s19], [sflag:$0x3] =	stream.indirect_vreg.gather [hbm4b:s5+s3], $0x80, v2, vm0, $0xb8;
	[tilespmem:$0x12000] =	vst v63  }
0x60: {  	s16 =	simm.s32 $0xB000  }
0x61: {  	[tilespmem:s16], [sflag:$0x3] =	stream.indirect_vreg.gather [hbm4b:s6+s3], $0x80, v2, vm0, $0xb8;
	[tilespmem:$0x12000] =	vst v63  }
0x62: {  	s17 =	simm.s32 $0xB800  }
0x63: {  	[tilespmem:s17], [sflag:$0x3] =	stream.indirect_vreg.gather [hbm4b:s7+s3], $0x80, v2, vm0, $0xb8;
	[tilespmem:$0x12000] =	vst v63  }
0x64: {  	s18 =	simm.s32 $0xC000  }
0x65: {  	[tilespmem:s18], [sflag:$0x3] =	stream.indirect_vreg.gather [hbm4b:s8+s3], $0x80, v2, vm0, $0xb8;
	[tilespmem:$0x12000] =	vst v63  }
0x66: {  	s19 =	simm.s32 $0xC800  }
0x67: {  	[tilespmem:s19], [sflag:$0x3] =	stream.indirect_vreg.gather [hbm4b:s9+s3], $0x80, v2, vm0, $0xb8;
	[tilespmem:$0x12000] =	vst v63  }
0x68: {  	_ = 	snop  }
0x69: {  	[tilespmem:s20], [sflag:$0x3] =	stream.indirect_vreg.gather [hbm4b:s10+s3], $0x80, v2, vm0, $0xb8;
	[tilespmem:$0x12000] =	vst v63  }
0x6a: {  	s16 =	simm.s32 $0x0;
	s19 =	simm.s32 $0x0  }
0x6b: {  	[tilespmem:s21], [sflag:$0x3] =	stream.indirect_vreg.gather [hbm4b:s11+s3], $0x80, v2, vm0, $0xb8;
	[tilespmem:$0x12000] =	vst v63  }
.LBB2_2:
0x6c: {  	_ =	swait.ge [sflag:s22], $0x4000  }
0x6d: {  	s17 =	sadd.s32 s16, s13;
	p0 =	seq.s32 s16, $0x0;
	[sflag:s22] =	ssyncset.done $0x0  }
0x6e: {  	s1 =	simm.s32 $0x2000;
	s18 =	simm.s32 @!p0 $0x8;
	[sflag:s22] =	ssyncadd.s32 $0xFFFFC000  }
0x6f: {  	[hbm4b:s17+s3] =	stream.linear.scatter [tilespmem:s1], [sflag:$0x5], $0x4000, $0x38;
	[tilespmem:$0x12000] =	vst v63  }
0x70: {  	_ =	swait.ge @!p0 [sflag:s18], $0x4000  }
0x71: {  	s1 =	smov.u32 s19;
	[sflag:s18] =	ssyncset.done @!p0 $0x0  }
0x72: {  	s1 =	simm.s32 @p0 $0x0;
	[sflag:s18] =	ssyncadd.s32 @!p0 $0xFFFFC000  }
0x73: {  	v2 =	vld.msk [tilespmem:s1+$0x180], $0xff;
	_ =	sdelay $0x4  }
0x74: {  	v3 =	vshll.u32 v2, $0x4  }
0x75: {  	v2 =	vand.u32 $0x7, v2;
	v3 =	vand.u32 $0xFFFFFF80, v3  }
0x76: {  	v2 =	vor.u32 v2, v3  }
0x77: {  	v2 =	vperm.xlane v2, v0;
	_ =	sdelay $0x1  }
0x78: {  	v2 =	vadd.s32 v1, v2;
	_ =	sdelay $0x4  }
0x79: {  	[tilespmem:s24], [sflag:$0x4] =	stream.indirect_vreg.gather [hbm4b:s2+s3], $0x80, v2, vm0, $0xb8;
	[tilespmem:$0x12000] =	vst v63  }
0x7a: {  	_ = 	snop  }
0x7b: {  	[tilespmem:s25], [sflag:$0x4] =	stream.indirect_vreg.gather [hbm4b:s5+s3], $0x80, v2, vm0, $0xb8;
	[tilespmem:$0x12000] =	vst v63  }
0x7c: {  	_ = 	snop  }
0x7d: {  	[tilespmem:s26], [sflag:$0x4] =	stream.indirect_vreg.gather [hbm4b:s6+s3], $0x80, v2, vm0, $0xb8;
	[tilespmem:$0x12000] =	vst v63  }
0x7e: {  	_ = 	snop  }
0x7f: {  	[tilespmem:s28], [sflag:$0x4] =	stream.indirect_vreg.gather [hbm4b:s7+s3], $0x80, v2, vm0, $0xb8;
	[tilespmem:$0x12000] =	vst v63  }
0x80: {  	_ = 	snop  }
0x81: {  	[tilespmem:s29], [sflag:$0x4] =	stream.indirect_vreg.gather [hbm4b:s8+s3], $0x80, v2, vm0, $0xb8;
	[tilespmem:$0x12000] =	vst v63  }
0x82: {  	_ = 	snop  }
0x83: {  	[tilespmem:s30], [sflag:$0x4] =	stream.indirect_vreg.gather [hbm4b:s9+s3], $0x80, v2, vm0, $0xb8;
	[tilespmem:$0x12000] =	vst v63  }
0x84: {  	_ = 	snop  }
0x85: {  	[tilespmem:s31], [sflag:$0x4] =	stream.indirect_vreg.gather [hbm4b:s10+s3], $0x80, v2, vm0, $0xb8;
	[tilespmem:$0x12000] =	vst v63  }
0x86: {  	_ = 	snop  }
0x87: {  	[tilespmem:s4], [sflag:$0x4] =	stream.indirect_vreg.gather [hbm4b:s11+s3], $0x80, v2, vm0, $0xb8;
	[tilespmem:$0x12000] =	vst v63  }
0x88: {  	_ =	swait.ge [sflag:s12], $0x4000  }
0x89: {  	s18 =	simm.s32 $0x6000;
	[sflag:s12] =	ssyncset.done $0x0  }
0x8a: {  	p0 =	seq.s32 s16, $0x1E000;
	s1 =	sadd.s32 $0x800, s17;
	[sflag:s12] =	ssyncadd.s32 $0xFFFFC000  }
0x8b: {  	[hbm4b:s1+s3] =	stream.linear.scatter [tilespmem:s18], [sflag:$0x6], $0x4000, $0x38;
	[tilespmem:$0x12000] =	vst v63  }
0x8c: {  	s1 =	simm.s32 @!p0 $0x5  }
0x8d: {  	_ =	swait.ge @!p0 [sflag:s1], $0x4000  }
0x8e: {  	[sflag:s1] =	ssyncset.done @!p0 $0x0  }
0x8f: {  	[sflag:s1] =	ssyncadd.s32 @!p0 $0xFFFFC000  }
0x90: {  	v2 =	vld.msk @!p0 [tilespmem:s19+$0x200], $0xff;
	_ =	sdelay $0x4  }
0x91: {  	v3 =	vshll.u32 @!p0 v2, $0x4  }
0x92: {  	v4 =	vlaneseq.u32 @!p0;
	v2 =	vand.u32 @!p0 $0x7, v2;
	v3 =	vand.u32 @!p0 $0xFFFFFF80, v3  }
0x93: {  	v2 =	vor.u32 @!p0 v2, v3;
	v3 =	vand.u32 @!p0 $0x7, v4;
	v4 =	vshrl.u32 @!p0 v4, $0x3  }
0x94: {  	v2 =	vperm.xlane @!p0 v2, v3;
	v4 =	vmul.u32 @!p0 $0x8, v4;
	_ =	sdelay $0x1  }
0x95: {  	v2 =	vadd.s32 @!p0 v4, v2;
	_ =	sdelay $0x3  }
0x96: {  	vm1 =	vmmov @!p0 $0xffff;
	s18 =	simm.s32 @!p0 $0x2000;
	s1 =	simm.s32 @!p0 $0x0  }
0x97: {  	[tilespmem:s18], [sflag:$0x1] =	stream.indirect_vreg.gather @!p0 [hbm4b:s2+s1], $0x80, v2, vm1, $0xb8;
	[tilespmem:$0x12000] =	vst v63  }
0x98: {  	s18 =	simm.s32 @!p0 $0x2800  }
0x99: {  	[tilespmem:s18], [sflag:$0x1] =	stream.indirect_vreg.gather @!p0 [hbm4b:s5+s1], $0x80, v2, vm1, $0xb8;
	[tilespmem:$0x12000] =	vst v63  }
0x9a: {  	s18 =	simm.s32 @!p0 $0x3000  }
0x9b: {  	[tilespmem:s18], [sflag:$0x1] =	stream.indirect_vreg.gather @!p0 [hbm4b:s6+s1], $0x80, v2, vm1, $0xb8;
	[tilespmem:$0x12000] =	vst v63  }
0x9c: {  	s18 =	simm.s32 @!p0 $0x3800  }
0x9d: {  	[tilespmem:s18], [sflag:$0x1] =	stream.indirect_vreg.gather @!p0 [hbm4b:s7+s1], $0x80, v2, vm1, $0xb8;
	[tilespmem:$0x12000] =	vst v63  }
0x9e: {  	s18 =	simm.s32 @!p0 $0x4000  }
0x9f: {  	[tilespmem:s18], [sflag:$0x1] =	stream.indirect_vreg.gather @!p0 [hbm4b:s8+s1], $0x80, v2, vm1, $0xb8;
	[tilespmem:$0x12000] =	vst v63  }
0xa0: {  	s18 =	simm.s32 @!p0 $0x4800  }
0xa1: {  	[tilespmem:s18], [sflag:$0x1] =	stream.indirect_vreg.gather @!p0 [hbm4b:s9+s1], $0x80, v2, vm1, $0xb8;
	[tilespmem:$0x12000] =	vst v63  }
0xa2: {  	s18 =	simm.s32 @!p0 $0x5000  }
0xa3: {  	[tilespmem:s18], [sflag:$0x1] =	stream.indirect_vreg.gather @!p0 [hbm4b:s10+s1], $0x80, v2, vm1, $0xb8;
	[tilespmem:$0x12000] =	vst v63  }
0xa4: {  	s18 =	simm.s32 @!p0 $0x5800  }
0xa5: {  	[tilespmem:s18], [sflag:$0x1] =	stream.indirect_vreg.gather @!p0 [hbm4b:s11+s1], $0x80, v2, vm1, $0xb8;
	[tilespmem:$0x12000] =	vst v63  }
0xa6: {  	_ =	swait.ge [sflag:s14], $0x4000  }
0xa7: {  	[sflag:s14] =	ssyncset.done $0x0  }
0xa8: {  	s18 =	sadd.s32 $0x1000, s17;
	[sflag:s14] =	ssyncadd.s32 $0xFFFFC000  }
0xa9: {  	[hbm4b:s18+s3] =	stream.linear.scatter [tilespmem:s0], [sflag:$0x7], $0x4000, $0x38;
	[tilespmem:$0x12000] =	vst v63  }
0xaa: {  	s18 =	simm.s32 @!p0 $0x6  }
0xab: {  	_ =	swait.ge @!p0 [sflag:s18], $0x4000  }
0xac: {  	[sflag:s18] =	ssyncset.done @!p0 $0x0  }
0xad: {  	[sflag:s18] =	ssyncadd.s32 @!p0 $0xFFFFC000  }
0xae: {  	v2 =	vld.msk @!p0 [tilespmem:s19+$0x280], $0xff;
	_ =	sdelay $0x4  }
0xaf: {  	v5 =	vshll.u32 @!p0 v2, $0x4  }
0xb0: {  	v2 =	vand.u32 @!p0 $0x7, v2;
	v5 =	vand.u32 @!p0 $0xFFFFFF80, v5  }
0xb1: {  	v2 =	vor.u32 @!p0 v2, v5  }
0xb2: {  	v2 =	vperm.xlane @!p0 v2, v3;
	_ =	sdelay $0x1  }
0xb3: {  	v2 =	vadd.s32 @!p0 v4, v2;
	_ =	sdelay $0x3  }
0xb4: {  	s18 =	simm.s32 @!p0 $0x6000  }
0xb5: {  	[tilespmem:s18], [sflag:$0x2] =	stream.indirect_vreg.gather @!p0 [hbm4b:s2+s1], $0x80, v2, vm1, $0xb8;
	[tilespmem:$0x12000] =	vst v63  }
0xb6: {  	s18 =	simm.s32 @!p0 $0x6800  }
0xb7: {  	[tilespmem:s18], [sflag:$0x2] =	stream.indirect_vreg.gather @!p0 [hbm4b:s5+s1], $0x80, v2, vm1, $0xb8;
	[tilespmem:$0x12000] =	vst v63  }
0xb8: {  	s18 =	simm.s32 @!p0 $0x7000  }
0xb9: {  	[tilespmem:s18], [sflag:$0x2] =	stream.indirect_vreg.gather @!p0 [hbm4b:s6+s1], $0x80, v2, vm1, $0xb8;
	[tilespmem:$0x12000] =	vst v63  }
0xba: {  	s18 =	simm.s32 @!p0 $0x7800  }
0xbb: {  	[tilespmem:s18], [sflag:$0x2] =	stream.indirect_vreg.gather @!p0 [hbm4b:s7+s1], $0x80, v2, vm1, $0xb8;
	[tilespmem:$0x12000] =	vst v63  }
0xbc: {  	s18 =	simm.s32 @!p0 $0x8000  }
0xbd: {  	[tilespmem:s18], [sflag:$0x2] =	stream.indirect_vreg.gather @!p0 [hbm4b:s8+s1], $0x80, v2, vm1, $0xb8;
	[tilespmem:$0x12000] =	vst v63  }
0xbe: {  	s18 =	simm.s32 @!p0 $0x8800  }
0xbf: {  	[tilespmem:s18], [sflag:$0x2] =	stream.indirect_vreg.gather @!p0 [hbm4b:s9+s1], $0x80, v2, vm1, $0xb8;
	[tilespmem:$0x12000] =	vst v63  }
0xc0: {  	s18 =	simm.s32 @!p0 $0x9000  }
0xc1: {  	[tilespmem:s18], [sflag:$0x2] =	stream.indirect_vreg.gather @!p0 [hbm4b:s10+s1], $0x80, v2, vm1, $0xb8;
	[tilespmem:$0x12000] =	vst v63  }
0xc2: {  	s18 =	simm.s32 @!p0 $0x9800  }
0xc3: {  	[tilespmem:s18], [sflag:$0x2] =	stream.indirect_vreg.gather @!p0 [hbm4b:s11+s1], $0x80, v2, vm1, $0xb8;
	[tilespmem:$0x12000] =	vst v63  }
.Ltmp2:
0xc4: {  	_ = 	snop;
	(pc) =	sbr.rel @p0 .LBB2_4-.Ltmp2, $4  }
0xc5: {  	_ =	swait.ge [sflag:s15], $0x4000  }
0xc6: {  	[sflag:s15] =	ssyncset.done $0x0  }
0xc7: {  	s18 =	sadd.s32 $0x1800, s17;
	[sflag:s15] =	ssyncadd.s32 $0xFFFFC000  }
0xc8: {  	[hbm4b:s18+s3] =	stream.linear.scatter [tilespmem:s24], [sflag:$0x8], $0x4000, $0x38;
	[tilespmem:$0x12000] =	vst v63  }
0xc9: {  	_ =	swait.ge [sflag:s23], $0x4000  }
0xca: {  	[sflag:s23] =	ssyncset.done $0x0  }
0xcb: {  	[sflag:s23] =	ssyncadd.s32 $0xFFFFC000  }
0xcc: {  	v2 =	vld.msk [tilespmem:s19+$0x300], $0xff;
	_ =	sdelay $0x4  }
0xcd: {  	v3 =	vshll.u32 v2, $0x4  }
0xce: {  	v2 =	vand.u32 $0x7, v2;
	v3 =	vand.u32 $0xFFFFFF80, v3  }
0xcf: {  	v2 =	vor.u32 v2, v3  }
0xd0: {  	v2 =	vperm.xlane v2, v0;
	_ =	sdelay $0x1  }
0xd1: {  	v2 =	vadd.s32 v1, v2;
	_ =	sdelay $0x4  }
0xd2: {  	[tilespmem:s0], [sflag:$0x3] =	stream.indirect_vreg.gather [hbm4b:s2+s3], $0x80, v2, vm0, $0xb8;
	[tilespmem:$0x12000] =	vst v63  }
0xd3: {  	s1 =	simm.s32 $0xA800  }
0xd4: {  	[tilespmem:s1], [sflag:$0x3] =	stream.indirect_vreg.gather [hbm4b:s5+s3], $0x80, v2, vm0, $0xb8;
	[tilespmem:$0x12000] =	vst v63  }
0xd5: {  	s17 =	simm.s32 $0xB000  }
0xd6: {  	[tilespmem:s17], [sflag:$0x3] =	stream.indirect_vreg.gather [hbm4b:s6+s3], $0x80, v2, vm0, $0xb8;
	[tilespmem:$0x12000] =	vst v63  }
0xd7: {  	s18 =	simm.s32 $0xB800  }
0xd8: {  	[tilespmem:s18], [sflag:$0x3] =	stream.indirect_vreg.gather [hbm4b:s7+s3], $0x80, v2, vm0, $0xb8;
	[tilespmem:$0x12000] =	vst v63  }
0xd9: {  	s17 =	simm.s32 $0xC000  }
0xda: {  	[tilespmem:s17], [sflag:$0x3] =	stream.indirect_vreg.gather [hbm4b:s8+s3], $0x80, v2, vm0, $0xb8;
	[tilespmem:$0x12000] =	vst v63  }
0xdb: {  	s18 =	simm.s32 $0xC800  }
0xdc: {  	[tilespmem:s18], [sflag:$0x3] =	stream.indirect_vreg.gather [hbm4b:s9+s3], $0x80, v2, vm0, $0xb8;
	[tilespmem:$0x12000] =	vst v63  }
.Ltmp3:
0xdd: {  	_ = 	snop;
	(pc) =	sbr.rel .LBB2_2-.Ltmp3, $4  }
0xde: {  	_ = 	snop  }
0xdf: {  	[tilespmem:s20], [sflag:$0x3] =	stream.indirect_vreg.gather [hbm4b:s10+s3], $0x80, v2, vm0, $0xb8;
	[tilespmem:$0x12000] =	vst v63  }
0xe0: {  	s16 =	sadd.s32 $0x2000, s16;
	s19 =	sadd.s32 $0x200, s19  }
0xe1: {  	[tilespmem:s21], [sflag:$0x3] =	stream.indirect_vreg.gather [hbm4b:s11+s3], $0x80, v2, vm0, $0xb8;
	[tilespmem:$0x12000] =	vst v63  }
.LBB2_5:
0xe2: {  	_ =	sfence.sel $0x180000  }
0xe3: {  	[bflag:$0x0] =	sbarrier.arrive $0xFFFF  }
0xe4: {  	_ =	strace $0x90000047  }
0xe5: {  	s0 =	stileid.u32;
	[bflag:$0x2] =	sbarrier.arrive $0xFFFF  }
0xe6: {  	p0 =	sne.s32 s0, $0x0;
	s0 =	rddreg [dreg:$0x3]  }
0xe7: {  	s0 =	sadd.s32 @!p0 $0x100000, s0  }
0xe8: {  	[sflag:s0] =	ssyncadd.tile.s32 @!p0 $0x1;
	_ =	shalt  }
.Lfunc_end2:
_tile_overlayer_lowered:
.L_overlay_start_2:
0xe9: {  	(tag) =	ssettag $0x2  }
0xea: {  	s0 =	rddreg [dreg:$0x0];
	s2 =	stileid.u32  }
0xeb: {  	s1 =	rddreg [dreg:$0x1];
	p0 =	sne.s32 s2, $0x0  }
0xec: {  	s3 =	rddreg [dreg:$0x2];
	[bflag:$0x3] =	sbarrier.arrive $0xFFFF;
	s2 =	simm.s32 @!p0 $0x1C09  }
0xed: {  	[timem:s3], [sflag:s2] =	dma.local @!p0 [hbm:s0], s1  }
0xee: {  	s0 =	simm.s32 @!p0 $0x9  }
0xef: {  	_ =	swait.ge @!p0 [sflag:s0], s1  }
0xf0: {  	s1 =	ssub.s32 @!p0 $0x0, s1;
	[sflag:s0] =	ssyncset.done @!p0 $0x0  }
0xf1: {  	[sflag:s0] =	ssyncadd.s32 @!p0 s1  }
0xf2: {  	[bflag:$0x3] =	sbarrier.arrive $0xFFFF  }
0xf3: {  	_ =	shalt  }

</sc_bundles>
